<compile_context>
chip_gen: v7x
topology: tpu7x:2x2x1
jax: 0.10.2.dev20260603
libtpu: 0.0.44.dev20260713+nightly
codegen_flags: <defaults>
</compile_context>

<pallas_src>
import functools

import jax
import jax.numpy as jnp
from jax import lax
from jax.experimental import pallas as pl
from jax.experimental.pallas import tpu as pltpu
from jax.experimental.pallas import tpu_sc as plsc

B = 512
K = 2048
D = 256


B_BLK = 512
K_BLK = 512
K_STEPS = K // K_BLK


def _dist_argmin_body(x_ref, m_ref, idx_ref, bval, bidx):
    j = pl.program_id(1)

    @pl.when(j == 0)
    def _init():
        bval[...] = jnp.full((1, B_BLK), jnp.inf, jnp.float32)
        bidx[...] = jnp.zeros((1, B_BLK), jnp.int32)

    x = x_ref[...]
    m = m_ref[...]
    gt = lax.dot_general(
        m, x, (((1,), (1,)), ((), ())),
        preferred_element_type=jnp.float32,
        precision=lax.Precision.HIGHEST,
    )
    ones = jnp.ones((D, 1), jnp.float32)
    mnorm = lax.dot_general(
        m * m, ones, (((1,), (0,)), ((), ())),
        preferred_element_type=jnp.float32,
        precision=lax.Precision.HIGHEST,
    )
    cost = mnorm - 2.0 * gt
    lmin = jnp.min(cost, axis=0, keepdims=True)
    kiota = lax.broadcasted_iota(jnp.int32, cost.shape, 0) + j * K_BLK
    lidx = jnp.min(jnp.where(cost == lmin, kiota, jnp.int32(K)), axis=0,
                   keepdims=True)
    better = lmin < bval[...]
    bval[...] = jnp.where(better, lmin, bval[...])
    bidx[...] = jnp.where(better, lidx, bidx[...])

    @pl.when(j == K_STEPS - 1)
    def _flush():
        idx_ref[...] = bidx[...][0, :]


def _dist_argmin(x, m):
    return pl.pallas_call(
        _dist_argmin_body,
        grid=(B // B_BLK, K_STEPS),
        in_specs=[
            pl.BlockSpec((B_BLK, D), lambda i, j: (i, 0)),
            pl.BlockSpec((K_BLK, D), lambda i, j: (j, 0)),
        ],
        out_specs=pl.BlockSpec((B_BLK,), lambda i, j: (i,)),
        out_shape=jax.ShapeDtypeStruct((B,), jnp.int32),
        scratch_shapes=[
            pltpu.VMEM((1, B_BLK), jnp.float32),
            pltpu.VMEM((1, B_BLK), jnp.int32),
        ],
    )(x, m)


@functools.cache
def _make_gather_acc():
    info = plsc.get_sparse_core_info()
    nc, ns, nl = info.num_cores, info.num_subcores, info.num_lanes
    nw = nc * ns
    bpw = B // nw
    assert bpw == nl

    mesh = plsc.VectorSubcoreMesh(core_axis_name="c", subcore_axis_name="s")

    @functools.partial(
        pl.kernel,
        out_type=(jax.ShapeDtypeStruct((B,), jnp.int32),
                  jax.ShapeDtypeStruct((B,), jnp.float32)),
        mesh=mesh,
        scratch_types=[
            pltpu.VMEM((bpw,), jnp.int32),
            pltpu.VMEM((bpw,), jnp.int32),
            pltpu.VMEM((bpw,), jnp.int32),
            pltpu.VMEM((bpw,), jnp.float32),
            pltpu.SemaphoreType.DMA,
            pltpu.SemaphoreType.DMA,
        ],
    )
    def gather_acc(idx_hbm, tgt_hbm, cls_hbm, pred_hbm, acc_hbm,
                   idx_v, tgt_v, pred_v, acc_v, sem_a, sem_b):
        wid = lax.axis_index("s") * nc + lax.axis_index("c")
        base = wid * bpw
        ca = pltpu.async_copy(idx_hbm.at[pl.ds(base, bpw)], idx_v, sem_a)
        cb = pltpu.async_copy(tgt_hbm.at[pl.ds(base, bpw)], tgt_v, sem_b)
        ca.wait()
        pltpu.async_copy(cls_hbm.at[idx_v], pred_v, sem_a).wait()
        pred = pred_v[...]
        cb.wait()
        acc_v[...] = jnp.where(pred == tgt_v[...], 1.0, 0.0).astype(jnp.float32)
        cw1 = pltpu.async_copy(pred_v, pred_hbm.at[pl.ds(base, bpw)], sem_a)
        cw2 = pltpu.async_copy(acc_v, acc_hbm.at[pl.ds(base, bpw)], sem_b)
        cw1.wait()
        cw2.wait()

    return gather_acc


def kernel(input, target, cluster_means, cluster_classes):
    idx = _dist_argmin(input, cluster_means)
    pred, acc = _make_gather_acc()(idx, target, cluster_classes)
    z = jnp.zeros(1, dtype=jnp.float32)
    return (z, jnp.zeros(1, dtype=jnp.float32), pred, acc)

# --- scband reference (transcript-rebuilt; emitter-appended) ---
"""Pipeline reference for scband-magnet-loss-eval-75179107549356 (READ-ONLY COPY).

The authoritative reference and input builder live on the scoring server;
editing this copy changes nothing except your own understanding.
"""

import jax, jax.numpy as jnp
import numpy as np


def setup_inputs(seed: int = 0) -> dict:
    key = jax.random.key(seed)
    k1, k2, k3, k4 = jax.random.split(key, 4)
    inp = jax.random.normal(k1, (512, 256), dtype=jnp.float32)
    target = jax.random.randint(k2, (512,), 0, 100)
    cluster_means = jax.random.normal(k3, (2048, 256), dtype=jnp.float32)
    cluster_classes = jax.random.randint(k4, (2048,), 0, 100)
    return {"input": inp, "target": target, "cluster_means": cluster_means, "cluster_classes": cluster_classes}


def reference(input, target, cluster_means, cluster_classes):
    # sample_costs[b, k] = sum_d (cluster_means[k, d] - input[b, d])**2
    diff = cluster_means[None, :, :] - input[:, None, :]
    sample_costs = jnp.sum(diff ** 2, axis=2)
    # style == 'closest': nearest-centroid classification
    pred_idx = jnp.argmin(sample_costs, axis=1)
    pred = jnp.take(cluster_classes, pred_idx, axis=0)
    acc = (pred == target).astype(jnp.float32)
    return (jnp.zeros(1, dtype=jnp.float32), jnp.zeros(1, dtype=jnp.float32), pred, acc)

if __name__ == "__main__":
    import jax
    _d = setup_inputs()
    print(jax.jit(kernel)(*tuple(_d.values())))

</pallas_src>

<mosaic_0001>
#map = affine_map<(d0, d1) -> (0)>
module attributes {stable_mosaic.version = 14 : i64} {
  func.func @gather_acc(%arg0: i32, %arg1: i32, %arg2: memref<512xi32, #tpu.memory_space<hbm>>, %arg3: memref<512xi32, #tpu.memory_space<hbm>>, %arg4: memref<2048xi32, #tpu.memory_space<hbm>>, %arg5: memref<512xi32, #tpu.memory_space<hbm>>, %arg6: memref<512xf32, #tpu.memory_space<hbm>>, %arg7: memref<16xi32, #tpu.memory_space<vmem>>, %arg8: memref<16xi32, #tpu.memory_space<vmem>>, %arg9: memref<16xi32, #tpu.memory_space<vmem>>, %arg10: memref<16xf32, #tpu.memory_space<vmem>>, %arg11: memref<!tpu.dma_semaphore, #tpu.memory_space<semaphore_mem>>, %arg12: memref<!tpu.dma_semaphore, #tpu.memory_space<semaphore_mem>>) attributes {dimension_semantics = [#tpu.dimension_semantics<core_parallel>, #tpu.dimension_semantics<subcore_parallel>], iteration_bounds = array<i64: 2, 16>, scalar_prefetch = 0 : i64, scratch_operands = 6 : i64, tpu.core_type = #tpu.core_type<sc_vector_subcore>, window_params = [{transform_indices = #map}, {transform_indices = #map}, {transform_indices = #map}, {transform_indices = #map}, {transform_indices = #map}]} {
    %mul3A = arith.constant 2 : i32
    %mul3A_0 = arith.muli %arg1, %mul3A : i32
    %add3A = arith.addi %mul3A_0, %arg0 : i32
    %mul3A_1 = arith.constant 16 : i32
    %mul3A_2 = arith.muli %add3A, %mul3A_1 : i32
    %dma_start3A = tpu.memref_slice %arg2[%mul3A_2] : memref<512xi32, #tpu.memory_space<hbm>> -> memref<16xi32, #tpu.memory_space<hbm>>
    %dma_start3A_3 = tpu.memref_slice %arg2[%mul3A_2] : memref<512xi32, #tpu.memory_space<hbm>> -> memref<16xi32, #tpu.memory_space<hbm>>
    tpu.enqueue_dma source(%dma_start3A_3 : memref<16xi32, #tpu.memory_space<hbm>>) target(%arg7 : memref<16xi32, #tpu.memory_space<vmem>>) target_semaphore(%arg11 : memref<!tpu.dma_semaphore, #tpu.memory_space<semaphore_mem>>)
    %dma_start3A_4 = tpu.memref_slice %arg3[%mul3A_2] : memref<512xi32, #tpu.memory_space<hbm>> -> memref<16xi32, #tpu.memory_space<hbm>>
    %dma_start3A_5 = tpu.memref_slice %arg3[%mul3A_2] : memref<512xi32, #tpu.memory_space<hbm>> -> memref<16xi32, #tpu.memory_space<hbm>>
    tpu.enqueue_dma source(%dma_start3A_5 : memref<16xi32, #tpu.memory_space<hbm>>) target(%arg8 : memref<16xi32, #tpu.memory_space<vmem>>) target_semaphore(%arg12 : memref<!tpu.dma_semaphore, #tpu.memory_space<semaphore_mem>>)
    %dma_wait3A = tpu.memref_slice %arg2[%mul3A_2] : memref<512xi32, #tpu.memory_space<hbm>> -> memref<16xi32, #tpu.memory_space<hbm>>
    %dma_wait3A_6 = tpu.memref_slice %arg2[%mul3A_2] : memref<512xi32, #tpu.memory_space<hbm>> -> memref<16xi32, #tpu.memory_space<hbm>>
    tpu.wait_dma2 semaphore(%arg11 : memref<!tpu.dma_semaphore, #tpu.memory_space<semaphore_mem>>) src(%dma_wait3A_6 : memref<16xi32, #tpu.memory_space<hbm>>) dst(%arg7 : memref<16xi32, #tpu.memory_space<vmem>>)
    %dma_start3A_7 = arith.constant 0 : i32
    %dma_start3A_8 = tpu.memref_slice %arg4[%dma_start3A_7] : memref<2048xi32, #tpu.memory_space<hbm>> -> memref<2048xi32, #tpu.memory_space<hbm>>
    tpu.enqueue_indirect_dma source(%dma_start3A_8 : memref<2048xi32, #tpu.memory_space<hbm>>) target(%arg9 : memref<16xi32, #tpu.memory_space<vmem>>) offsets(%arg7 : memref<16xi32, #tpu.memory_space<vmem>>) semaphore(%arg11 : memref<!tpu.dma_semaphore, #tpu.memory_space<semaphore_mem>>)
    %dma_wait3A_9 = arith.constant 0 : i32
    %dma_wait3A_10 = tpu.memref_slice %arg4[%dma_wait3A_9] : memref<2048xi32, #tpu.memory_space<hbm>> -> memref<2048xi32, #tpu.memory_space<hbm>>
    tpu.wait_indirect_dma semaphore(%arg11 : memref<!tpu.dma_semaphore, #tpu.memory_space<semaphore_mem>>) src(%dma_wait3A_10 : memref<2048xi32, #tpu.memory_space<hbm>>) dst(%arg9 : memref<16xi32, #tpu.memory_space<vmem>>)
    %get3A = arith.constant 0 : index
    %get3A_11 = tpu.vector_load %arg9[%get3A] {strides = array<i32>} : memref<16xi32, #tpu.memory_space<vmem>>, vector<16xi32>,
    %get3A_12 = vector.shape_cast %get3A_11 : vector<16xi32> to vector<16xi32>
    %dma_wait3A_13 = tpu.memref_slice %arg3[%mul3A_2] : memref<512xi32, #tpu.memory_space<hbm>> -> memref<16xi32, #tpu.memory_space<hbm>>
    %dma_wait3A_14 = tpu.memref_slice %arg3[%mul3A_2] : memref<512xi32, #tpu.memory_space<hbm>> -> memref<16xi32, #tpu.memory_space<hbm>>
    tpu.wait_dma2 semaphore(%arg12 : memref<!tpu.dma_semaphore, #tpu.memory_space<semaphore_mem>>) src(%dma_wait3A_14 : memref<16xi32, #tpu.memory_space<hbm>>) dst(%arg8 : memref<16xi32, #tpu.memory_space<vmem>>)
    %get3A_15 = arith.constant 0 : index
    %get3A_16 = tpu.vector_load %arg8[%get3A_15] {strides = array<i32>} : memref<16xi32, #tpu.memory_space<vmem>>, vector<16xi32>,
    %get3A_17 = vector.shape_cast %get3A_16 : vector<16xi32> to vector<16xi32>
    %eq3A = arith.cmpi eq, %get3A_12, %get3A_17 : vector<16xi32>
    %jit3A = arith.constant 1.000000e+00 : f32
    %jit3A_18 = arith.constant 0.000000e+00 : f32
    %broadcast_in_dim3A = vector.broadcast %jit3A : f32 to vector<16xf32>
    %broadcast_in_dim3A_19 = vector.broadcast %jit3A_18 : f32 to vector<16xf32>
    %select_n3A = arith.select %eq3A, %broadcast_in_dim3A, %broadcast_in_dim3A_19 : vector<16xi1>, vector<16xf32>
    %swap3A = arith.constant 0 : index
    %swap3A_20 = tpu.vector_load %arg10[%swap3A] {strides = array<i32>} : memref<16xf32, #tpu.memory_space<vmem>>, vector<16xf32>,
    %swap3A_21 = vector.shape_cast %swap3A_20 : vector<16xf32> to vector<16xf32>
    %swap3A_22 = vector.shape_cast %select_n3A : vector<16xf32> to vector<16xf32>
    tpu.vector_store %arg10[%swap3A], %swap3A_22 {strides = array<i32>} : memref<16xf32, #tpu.memory_space<vmem>>, vector<16xf32>,
    %dma_start3A_23 = tpu.memref_slice %arg5[%mul3A_2] : memref<512xi32, #tpu.memory_space<hbm>> -> memref<16xi32, #tpu.memory_space<hbm>>
    %dma_start3A_24 = tpu.memref_slice %arg5[%mul3A_2] : memref<512xi32, #tpu.memory_space<hbm>> -> memref<16xi32, #tpu.memory_space<hbm>>
    tpu.enqueue_dma source(%arg9 : memref<16xi32, #tpu.memory_space<vmem>>) target(%dma_start3A_24 : memref<16xi32, #tpu.memory_space<hbm>>) target_semaphore(%arg11 : memref<!tpu.dma_semaphore, #tpu.memory_space<semaphore_mem>>)
    %dma_start3A_25 = tpu.memref_slice %arg6[%mul3A_2] : memref<512xf32, #tpu.memory_space<hbm>> -> memref<16xf32, #tpu.memory_space<hbm>>
    %dma_start3A_26 = tpu.memref_slice %arg6[%mul3A_2] : memref<512xf32, #tpu.memory_space<hbm>> -> memref<16xf32, #tpu.memory_space<hbm>>
    tpu.enqueue_dma source(%arg10 : memref<16xf32, #tpu.memory_space<vmem>>) target(%dma_start3A_26 : memref<16xf32, #tpu.memory_space<hbm>>) target_semaphore(%arg12 : memref<!tpu.dma_semaphore, #tpu.memory_space<semaphore_mem>>)
    %dma_wait3A_27 = tpu.memref_slice %arg5[%mul3A_2] : memref<512xi32, #tpu.memory_space<hbm>> -> memref<16xi32, #tpu.memory_space<hbm>>
    %dma_wait3A_28 = tpu.memref_slice %arg5[%mul3A_2] : memref<512xi32, #tpu.memory_space<hbm>> -> memref<16xi32, #tpu.memory_space<hbm>>
    tpu.wait_dma2 semaphore(%arg11 : memref<!tpu.dma_semaphore, #tpu.memory_space<semaphore_mem>>) src(%arg9 : memref<16xi32, #tpu.memory_space<vmem>>) dst(%dma_wait3A_28 : memref<16xi32, #tpu.memory_space<hbm>>)
    %dma_wait3A_29 = tpu.memref_slice %arg6[%mul3A_2] : memref<512xf32, #tpu.memory_space<hbm>> -> memref<16xf32, #tpu.memory_space<hbm>>
    %dma_wait3A_30 = tpu.memref_slice %arg6[%mul3A_2] : memref<512xf32, #tpu.memory_space<hbm>> -> memref<16xf32, #tpu.memory_space<hbm>>
    tpu.wait_dma2 semaphore(%arg12 : memref<!tpu.dma_semaphore, #tpu.memory_space<semaphore_mem>>) src(%arg10 : memref<16xf32, #tpu.memory_space<vmem>>) dst(%dma_wait3A_30 : memref<16xf32, #tpu.memory_space<hbm>>)
    return
  }
}

module attributes {stable_mosaic.version = 14 : i64} {
  func.func @_dist_argmin_body(%arg0: i32, %arg1: i32, %arg2: memref<512x256xf32, #tpu.memory_space<vmem>>, %arg3: memref<512x256xf32, #tpu.memory_space<vmem>>, %arg4: memref<512xi32, #tpu.memory_space<vmem>>, %arg5: memref<1x512xf32, #tpu.memory_space<vmem>>, %arg6: memref<1x512xi32, #tpu.memory_space<vmem>>) attributes {dimension_semantics = [#tpu.dimension_semantics<arbitrary>, #tpu.dimension_semantics<arbitrary>], iteration_bounds = array<i64: 1, 4>, scalar_prefetch = 0 : i64, scratch_operands = 2 : i64, tpu.core_type = #tpu.core_type<tc>, window_params = [{transform_indices = @transform_0, window_bounds = array<i64: 512, 256>}, {transform_indices = @transform_1, window_bounds = array<i64: 512, 256>}, {transform_indices = @transform_2, window_bounds = array<i64: 512>}]} {
    %eq3A = arith.constant 0 : i32
    %eq3A_0 = arith.cmpi eq, %arg1, %eq3A : i32
    %convert_element_type3A = arith.extui %eq3A_0 : i1 to i32
    %cond3A = arith.constant 0 : i32
    %cond3A_1 = arith.cmpi ne, %convert_element_type3A, %cond3A : i32
    scf.if %cond3A_1 {
      %broadcast_in_dim3A_47 = arith.constant 0x7F800000 : f32
      %broadcast_in_dim3A_48 = vector.broadcast %broadcast_in_dim3A_47 : f32 to vector<1x512xf32>
      %swap3A_49 = arith.constant 0 : index
      %swap3A_50 = arith.constant 0 : index
      %swap3A_51 = vector.load %arg5[%swap3A_49, %swap3A_50] : memref<1x512xf32, #tpu.memory_space<vmem>>, vector<1x512xf32>
      tpu.vector_store %arg5[%swap3A_49, %swap3A_50], %broadcast_in_dim3A_48 {strides = array<i32>} : memref<1x512xf32, #tpu.memory_space<vmem>>, vector<1x512xf32>,
      %broadcast_in_dim3A_52 = arith.constant 0 : i32
      %broadcast_in_dim3A_53 = vector.broadcast %broadcast_in_dim3A_52 : i32 to vector<1x512xi32>
      %swap3A_54 = arith.constant 0 : index
      %swap3A_55 = arith.constant 0 : index
      %swap3A_56 = vector.load %arg6[%swap3A_54, %swap3A_55] : memref<1x512xi32, #tpu.memory_space<vmem>>, vector<1x512xi32>
      tpu.vector_store %arg6[%swap3A_54, %swap3A_55], %broadcast_in_dim3A_53 {strides = array<i32>} : memref<1x512xi32, #tpu.memory_space<vmem>>, vector<1x512xi32>,
    } else {
    }
    %get3A = arith.constant 0 : index
    %get3A_2 = arith.constant 0 : index
    %get3A_3 = vector.load %arg2[%get3A, %get3A_2] : memref<512x256xf32, #tpu.memory_space<vmem>>, vector<512x256xf32>
    %get3A_4 = arith.constant 0 : index
    %get3A_5 = arith.constant 0 : index
    %get3A_6 = vector.load %arg3[%get3A_4, %get3A_5] : memref<512x256xf32, #tpu.memory_space<vmem>>, vector<512x256xf32>
    %dot_general3A = arith.constant dense<0.000000e+00> : vector<512x512xf32>
    %dot_general3A_7 = tpu.matmul %get3A_6, %get3A_3, %dot_general3A {dimension_numbers = #tpu.dot_dimension_numbers<[1], [1], [0], [0], [0, 0, 1, 0], [], []>, precision = #tpu.contract_precision<fp32>, transpose_lhs_hint = false} : vector<512x256xf32>, vector<512x256xf32>, vector<512x512xf32> -> vector<512x512xf32>
    %broadcast_in_dim3A = arith.constant 1.000000e+00 : f32
    %broadcast_in_dim3A_8 = vector.broadcast %broadcast_in_dim3A : f32 to vector<256x1xf32>
    %mul3A = arith.mulf %get3A_6, %get3A_6 : vector<512x256xf32>
    %dot_general3A_9 = arith.constant dense<0.000000e+00> : vector<512x1xf32>
    %dot_general3A_10 = tpu.matmul %mul3A, %broadcast_in_dim3A_8, %dot_general3A_9 {dimension_numbers = #tpu.dot_dimension_numbers<[1], [0], [0], [1], [0, 0, 1, 1], [], []>, precision = #tpu.contract_precision<fp32>, transpose_lhs_hint = false} : vector<512x256xf32>, vector<256x1xf32>, vector<512x1xf32> -> vector<512x1xf32>
    %mul3A_11 = arith.constant 2.000000e+00 : f32
    %mul3A_12 = vector.broadcast %mul3A_11 : f32 to vector<512x512xf32>
    %mul3A_13 = arith.mulf %mul3A_12, %dot_general3A_7 : vector<512x512xf32>
    %sub3A = vector.broadcast %dot_general3A_10 : vector<512x1xf32> to vector<512x512xf32>
    %sub3A_14 = arith.subf %sub3A, %mul3A_13 : vector<512x512xf32>
    %reduce_min3A = arith.constant dense<0x7F800000> : vector<512xf32>
    %reduce_min3A_15 = vector.multi_reduction <minimumf>, %sub3A_14, %reduce_min3A [0] : vector<512x512xf32> to vector<512xf32>
    %broadcast_in_dim3A_16 = vector.shape_cast %reduce_min3A_15 : vector<512xf32> to vector<1x512xf32>
    %iota3A = tpu.iota {dimensions = array<i32: 0>} : vector<512x512xi32>
    %mul3A_17 = arith.constant 512 : i32
    %mul3A_18 = arith.muli %arg1, %mul3A_17 : i32
    %add3A = vector.broadcast %mul3A_18 : i32 to vector<512x512xi32>
    %add3A_19 = arith.addi %iota3A, %add3A : vector<512x512xi32>
    %eq3A_20 = vector.broadcast %broadcast_in_dim3A_16 : vector<1x512xf32> to vector<512x512xf32>
    %eq3A_21 = arith.cmpf oeq, %sub3A_14, %eq3A_20 : vector<512x512xf32>
    %jit3A = arith.constant 2048 : i32
    %broadcast_in_dim3A_22 = vector.broadcast %jit3A : i32 to vector<512x512xi32>
    %select_n3A = arith.select %eq3A_21, %add3A_19, %broadcast_in_dim3A_22 : vector<512x512xi1>, vector<512x512xi32>
    %reduce_min3A_23 = arith.constant dense<2147483647> : vector<512xi32>
    %reduce_min3A_24 = vector.multi_reduction <minsi>, %select_n3A, %reduce_min3A_23 [0] : vector<512x512xi32> to vector<512xi32>
    %broadcast_in_dim3A_25 = vector.shape_cast %reduce_min3A_24 : vector<512xi32> to vector<1x512xi32>
    %get3A_26 = arith.constant 0 : index
    %get3A_27 = arith.constant 0 : index
    %get3A_28 = vector.load %arg5[%get3A_26, %get3A_27] : memref<1x512xf32, #tpu.memory_space<vmem>>, vector<1x512xf32>
    %lt3A = arith.cmpf olt, %broadcast_in_dim3A_16, %get3A_28 : vector<1x512xf32>
    %get3A_29 = arith.constant 0 : index
    %get3A_30 = arith.constant 0 : index
    %get3A_31 = vector.load %arg5[%get3A_29, %get3A_30] : memref<1x512xf32, #tpu.memory_space<vmem>>, vector<1x512xf32>
    %select_n3A_32 = arith.select %lt3A, %broadcast_in_dim3A_16, %get3A_31 : vector<1x512xi1>, vector<1x512xf32>
    %swap3A = arith.constant 0 : index
    %swap3A_33 = arith.constant 0 : index
    %swap3A_34 = vector.load %arg5[%swap3A, %swap3A_33] : memref<1x512xf32, #tpu.memory_space<vmem>>, vector<1x512xf32>
    tpu.vector_store %arg5[%swap3A, %swap3A_33], %select_n3A_32 {strides = array<i32>} : memref<1x512xf32, #tpu.memory_space<vmem>>, vector<1x512xf32>,
    %get3A_35 = arith.constant 0 : index
    %get3A_36 = arith.constant 0 : index
    %get3A_37 = vector.load %arg6[%get3A_35, %get3A_36] : memref<1x512xi32, #tpu.memory_space<vmem>>, vector<1x512xi32>
    %select_n3A_38 = arith.select %lt3A, %broadcast_in_dim3A_25, %get3A_37 : vector<1x512xi1>, vector<1x512xi32>
    %swap3A_39 = arith.constant 0 : index
    %swap3A_40 = arith.constant 0 : index
    %swap3A_41 = vector.load %arg6[%swap3A_39, %swap3A_40] : memref<1x512xi32, #tpu.memory_space<vmem>>, vector<1x512xi32>
    tpu.vector_store %arg6[%swap3A_39, %swap3A_40], %select_n3A_38 {strides = array<i32>} : memref<1x512xi32, #tpu.memory_space<vmem>>, vector<1x512xi32>,
    %eq3A_42 = arith.constant 3 : i32
    %eq3A_43 = arith.cmpi eq, %arg1, %eq3A_42 : i32
    %convert_element_type3A_44 = arith.extui %eq3A_43 : i1 to i32
    %cond3A_45 = arith.constant 0 : i32
    %cond3A_46 = arith.cmpi ne, %convert_element_type3A_44, %cond3A_45 : i32
    scf.if %cond3A_46 {
      %get3A_47 = arith.constant 0 : index
      %get3A_48 = arith.constant 0 : index
      %get3A_49 = vector.load %arg6[%get3A_47, %get3A_48] : memref<1x512xi32, #tpu.memory_space<vmem>>, vector<1x512xi32>
      %squeeze3A = vector.shape_cast %get3A_49 : vector<1x512xi32> to vector<512xi32>
      %swap3A_50 = arith.constant 0 : index
      %swap3A_51 = vector.load %arg4[%swap3A_50] : memref<512xi32, #tpu.memory_space<vmem>>, vector<512xi32>
      tpu.vector_store %arg4[%swap3A_50], %squeeze3A {strides = array<i32>} : memref<512xi32, #tpu.memory_space<vmem>>, vector<512xi32>,
    } else {
    }
    return
  }
  func.func @transform_0(%arg0: i32, %arg1: i32) -> (i32, i32) {
    %c0_i32 = arith.constant 0 : i32
    %c0_i32_0 = arith.constant 0 : i32
    return %arg0, %c0_i32 : i32, i32
  }
  func.func @transform_1(%arg0: i32, %arg1: i32) -> (i32, i32) {
    %c0_i32 = arith.constant 0 : i32
    %c0_i32_0 = arith.constant 0 : i32
    return %arg1, %c0_i32 : i32, i32
  }
  func.func @transform_2(%arg0: i32, %arg1: i32) -> i32 {
    %c0_i32 = arith.constant 0 : i32
    return %arg0 : i32
  }
}

</mosaic_0001>

<sc_bundles>
// kernel: kernel.4.cloned.1.call-start
scs
__scs_entry_jumppad:
0x0: {  	(pc) =	sbr.rel $0x88, $3  }
0x1: {  	(tag) =	ssettag $0x0;
	lr =	simm.s32 $0x1  }
0x2: {  	[smem:$0x3F9D] =	sst lr;
	_ =	strace $0xD0000000  }
0x3: {  	_ = 	snop  }
0x4: {  	_ = 	snop  }
0x5: {  	_ = 	snop  }
0x6: {  	_ = 	snop  }
0x7: {  	_ = 	snop  }
__scs_overlays_trampoline_lowered:
0x8: {  	[smem:$0x3FAC] =	sst s0  }
0x9: {  	[smem:$0x3FAD] =	sst s1  }
0xa: {  	[smem:$0x3FAE] =	sst s2  }
0xb: {  	[smem:$0x3FAF] =	sst s3  }
0xc: {  	[smem:$0x3FB0] =	sst s4  }
0xd: {  	[smem:$0x3FB1] =	sst s5  }
0xe: {  	[smem:$0x3FB2] =	sst s6  }
0xf: {  	[smem:$0x3FB3] =	sst s7  }
0x10: {  	[smem:$0x3FB4] =	sst s8  }
0x11: {  	[smem:$0x3FB5] =	sst s9;
	s0 =	simm.s32 @!p0 $0x0  }
0x12: {  	s1 =	sld [smem:$0x3F9B];
	s0 =	simm.s32 @p0 $0x1  }
0x13: {  	[smem:$0x3FB6] =	sst s0;
	s0 =	simm.s32 @!p1 $0x0  }
0x14: {  	s2 =	sld [smem:$0x3F9A];
	s0 =	simm.s32 @p1 $0x1  }
0x15: {  	[smem:$0x3FB7] =	sst s0;
	s0 =	simm.s32 @!p2 $0x0  }
0x16: {  	s3 =	sld [smem:$0x3FDB];
	s0 =	simm.s32 @p2 $0x1  }
0x17: {  	s4 =	simm.s32 $0x1BF5;
	[smem:$0x3FB9] =	sst s0  }
0x18: {  	s0 =	sld [smem:$0x3F9C];
	_ =	swait.ge [sflag:s4], $0x0  }
0x19: {  	s7 =	sld [smem:$0x3F9D]  }
0x1a: {  	s8 =	sadd.s32 $0xFFFFE003, lr  }
0x1b: {  	s9 =	sadd.s32 $0xFFFFFEF7, lr;
	s5 =	simm.s32 $0xFFFFFFFF;
	p2 =	slt.u32 s8, $0xFFFFF086  }
0x1c: {  	p1 =	slt.u32 s9, $0xF7A;
	s5 =	simm.s32 @!p2 $0x0  }
0x1d: {  	s5 =	simm.s32 @p1 $0x1;
	p0 =	seq.s32 s7, s2  }
0x1e: {  	s7 =	smul.u32 @!p0 $0xF7A, s2;
	p2 =	seq.s32 @!p0 s5, $0x0  }
0x1f: {  	s9 =	smul.u32 $0xF7A, s1;
	s8 =	simm.s32 @!p0 $0x1BF5;
	p2 =	por !p2, p0  }
0x20: {  	[sflag:s8] =	ssyncset.s32 @!p0 $0xFFFFF086;
	s6 =	sadd.s32 @!p0 s3, s7;
	s7 =	simm.s32 @!p0 $0x108  }
0x21: {  	s3 =	sadd.s32 s3, s9;
	s6 =	sadd.s32 @!p0 $0x88, s6;
	s7 =	simm.s32 @p2 $0x1082  }
0x22: {  	[simem:s7], [sflag:s8] =	dma.local @!p0 [hbm:s6], $0xF7A  }
0x23: {  	s9 =	sor.u32 $0xD0000000, s2;
	s6 =	simm.s32 $0x108;
	_ =	swait.ge @!p0 [sflag:s8], $0x0  }
0x24: {  	s3 =	sadd.s32 $0x88, s3;
	s6 =	simm.s32 @!p1 $0x1082;
	[sflag:s4] =	ssyncset.s32 $0xFFFFF086  }
0x25: {  	[simem:s6], [sflag:s4] =	dma.local [hbm:s3], $0xF7A  }
0x26: {  	[smem:$0x3F9D] =	sst s1;
	(tag) =	ssettag s2;
	_ =	strace s9  }
0x27: {  	s1 =	sld [smem:$0x3FAD]  }
0x28: {  	s2 =	sld [smem:$0x3FAE]  }
0x29: {  	s4 =	sld [smem:$0x3FB0]  }
0x2a: {  	p0 =	seq.s32 s5, $0x0;
	s5 =	sld [smem:$0x3FB1]  }
0x2b: {  	s6 =	sld [smem:$0x3FB2]  }
0x2c: {  	s7 =	sld [smem:$0x3FB3]  }
0x2d: {  	s3 =	simm.s32 $0x108;
	s8 =	sld [smem:$0x3FB4]  }
0x2e: {  	s3 =	simm.s32 @!p0 $0x1082;
	s9 =	sld [smem:$0x3FB5]  }
0x2f: {  	lr =	sadd.s32 s0, s3;
	s0 =	sld [smem:$0x3FAC]  }
0x30: {  	s3 =	sld [smem:$0x3FAF]  }
0x31: {  	[smem:$0x3FB8] =	sst s10  }
0x32: {  	s10 =	sld [smem:$0x3FB6];
	_ =	sdelay $0x3  }
0x33: {  	p0 =	seq.s32 s10, $0x1;
	s10 =	sld [smem:$0x3FB8];
	_ =	sdelay $0x3  }
0x34: {  	[smem:$0x3FB8] =	sst s10  }
0x35: {  	s10 =	sld [smem:$0x3FB7];
	_ =	sdelay $0x3  }
0x36: {  	p1 =	seq.s32 s10, $0x1;
	s10 =	sld [smem:$0x3FB8];
	_ =	sdelay $0x3  }
0x37: {  	[smem:$0x3FB8] =	sst s10  }
0x38: {  	s10 =	sld [smem:$0x3FB9]  }
0x39: {  	_ = 	snop;
	(pc) =	sbr.ind lr, $3  }
0x3a: {  	_ = 	snop  }
0x3b: {  	_ = 	snop  }
0x3c: {  	p2 =	seq.s32 s10, $0x1;
	s10 =	sld [smem:$0x3FB8]  }
0x3d: {  	_ =	shalt  }
0x3e: {  	_ =	shalt  }
0x3f: {  	_ =	shalt  }
0x40: {  	_ =	shalt  }
0x41: {  	_ =	shalt  }
0x42: {  	_ =	shalt  }
0x43: {  	_ =	shalt  }
0x44: {  	_ =	shalt  }
0x45: {  	_ =	shalt  }
0x46: {  	_ =	shalt  }
0x47: {  	_ =	shalt  }
0x48: {  	_ =	shalt  }
0x49: {  	_ =	shalt  }
0x4a: {  	_ =	shalt  }
0x4b: {  	_ =	shalt  }
0x4c: {  	_ =	shalt  }
0x4d: {  	_ =	shalt  }
0x4e: {  	_ =	shalt  }
0x4f: {  	_ =	shalt  }
0x50: {  	_ =	shalt  }
0x51: {  	_ =	shalt  }
0x52: {  	_ =	shalt  }
0x53: {  	_ =	shalt  }
0x54: {  	_ =	shalt  }
0x55: {  	_ =	shalt  }
0x56: {  	_ =	shalt  }
0x57: {  	_ =	shalt  }
0x58: {  	_ =	shalt  }
0x59: {  	_ =	shalt  }
0x5a: {  	_ =	shalt  }
0x5b: {  	_ =	shalt  }
0x5c: {  	_ =	shalt  }
0x5d: {  	_ =	shalt  }
0x5e: {  	_ =	shalt  }
0x5f: {  	_ =	shalt  }
0x60: {  	_ =	shalt  }
0x61: {  	_ =	shalt  }
0x62: {  	_ =	shalt  }
0x63: {  	_ =	shalt  }
0x64: {  	_ =	shalt  }
0x65: {  	_ =	shalt  }
0x66: {  	_ =	shalt  }
0x67: {  	_ =	shalt  }
0x68: {  	_ =	shalt  }
0x69: {  	_ =	shalt  }
0x6a: {  	_ =	shalt  }
0x6b: {  	_ =	shalt  }
0x6c: {  	_ =	shalt  }
0x6d: {  	_ =	shalt  }
0x6e: {  	_ =	shalt  }
0x6f: {  	_ =	shalt  }
0x70: {  	_ =	shalt  }
0x71: {  	_ =	shalt  }
0x72: {  	_ =	shalt  }
0x73: {  	_ =	shalt  }
0x74: {  	_ =	shalt  }
0x75: {  	_ =	shalt  }
0x76: {  	_ =	shalt  }
0x77: {  	_ =	shalt  }
0x78: {  	_ =	shalt  }
0x79: {  	_ =	shalt  }
0x7a: {  	_ =	shalt  }
0x7b: {  	_ =	shalt  }
0x7c: {  	_ =	shalt  }
0x7d: {  	_ =	shalt  }
0x7e: {  	_ =	shalt  }
0x7f: {  	_ =	shalt  }
0x80: {  	_ =	shalt  }
0x81: {  	_ =	shalt  }
0x82: {  	_ =	shalt  }
0x83: {  	_ =	shalt  }
0x84: {  	_ =	shalt  }
0x85: {  	_ =	shalt  }
0x86: {  	_ =	shalt  }
0x87: {  	_ =	shalt  }
.Lfunc_end0:
.L_simem_size_0:
called_computation_lowered:
.L_overlay_start_0:
0x88: {  	s2 =	sld [smem:$0x3FD9]  }
0x89: {  	s3 =	sld [smem:$0x3FFE];
	_ =	sdelay $0x1  }
0x8a: {  	s1 =	srdreg.scid  }
0x8b: {  	s0 =	sand.u32 $0x1, s1  }
0x8c: {  	s14 =	sshll.u32 s0, $0xA;
	s2 =	sadd.s32 s3, s2  }
0x8d: {  	s2 =	sadd.s32 s2, s14  }
0x8e: {  	[smem:$0x3FC4] =	sst s2  }
0x8f: {  	_ = 	snop  }
0x90: {  	s2 =	sld [smem:$0x3FD0];
	_ =	sdelay $0x1  }
0x91: {  	s15 =	sld [smem:$0x3FC8]  }
0x92: {  	s5 =	simm.s32 $0xA;
	s6 =	simm.s32 $0x10;
	s4 =	sld [smem:$0x3FC6]  }
0x93: {  	[smem:s6], [sflag:s5] =	dma.local [hbm:s2], $0x1  }
0x94: {  	_ =	swait.eq [sflag:s5], $0x1  }
0x95: {  	[sflag:s5] =	ssyncset.done $0x0  }
0x96: {  	s16 =	sld [smem:$0x12];
	[sflag:s5] =	ssyncadd.s32 $0xFFFFFFFF  }
0x97: {  	s17 =	sld [smem:$0x13];
	(tm) =	ssettm $0x1  }
0x98: {  	s18 =	sld [smem:$0x3FFB];
	_ =	sdelay $0x3  }
0x99: {  	_ =	strace s18  }
0x9a: {  	s6 =	sld [smem:$0x3FFC];
	_ =	sdelay $0x3  }
0x9b: {  	_ =	strace s6  }
0x9c: {  	s6 =	sld [smem:$0x3FFD];
	_ =	sdelay $0x3  }
0x9d: {  	_ =	strace s6  }
0x9e: {  	_ =	strace $0x8FFFFFFF  }
0x9f: {  	s19 =	sld [smem:$0x3FDB];
	_ =	sdelay $0x1  }
0xa0: {  	s7 =	simm.s32 $_scs_section_size  }
0xa1: {  	s8 =	simm.s32 $_size__tile_overlayer_lowered;
	s9 =	simm.s32 $_tile_overlayer_lowered  }
0xa2: {  	s22 =	simm.s32 $0x1BFF;
	s21 =	sshll.u32 s9, $0x1;
	s6 =	sadd.s32 s7, s19  }
0xa3: {  	s10 =	simm.s32 $0x0;
	s20 =	sshll.u32 s8, $0x1;
	s8 =	sadd.s32 s21, s6  }
0xa4: {  	[timem:s10], [sflag:s22] =	dma.local [hbm:s8], s20  }
0xa5: {  	_ =	swait.ge [sflag:s22], s20  }
0xa6: {  	s7 =	ssub.s32 $0x0, s20;
	[sflag:s22] =	ssyncset.done $0x0  }
0xa7: {  	[sflag:s22] =	ssyncadd.s32 s7;
	_ =	sdelay $0x1  }
0xa8: {  	s23 =	simm.s32 $0x1B8B  }
0xa9: {  	_ =	swait.ge [sflag:s23], $0x1  }
0xaa: {  	[sflag:s23] =	ssyncset.done $0x0  }
0xab: {  	s25 =	simm.s32 $0x1B8E;
	s24 =	sld [smem:$0x3FFE];
	[sflag:s23] =	ssyncadd.s32 $0xFFFFFFFF  }
0xac: {  	s26 =	simm.s32 $execute0_lowered;
	[smem:$0x3FD2] =	sst s25  }
0xad: {  	s8 =	sshll.u32 s26, $0x1;
	_ =	strace $0x80000046;
	[dreg:$0x1] =	wrdreg $0xFFFFFFFF  }
0xae: {  	s28 =	simm.s32 $_size_execute0_lowered;
	s6 =	sadd.s32 s6, s8;
	[dreg:$0x0] =	wrdreg $0x0  }
0xaf: {  	s8 =	sshll.u32 s28, $0x1;
	[dreg:$0x2] =	wrdreg s6  }
0xb0: {  	[dreg:$0x3] =	wrdreg s8  }
0xb1: {  	[dreg:$0x4] =	wrdreg $0xC0  }
0xb2: {  	_ =	task [dreg:s10], $0x5FFFF  }
0xb3: {  	[dreg:$0x1] =	wrdreg $0xFFFFFFFF  }
0xb4: {  	[dreg:$0x0] =	wrdreg $0x60  }
0xb5: {  	[dreg:$0x2] =	wrdreg s24  }
0xb6: {  	[dreg:$0x3] =	wrdreg s15  }
0xb7: {  	[dreg:$0x4] =	wrdreg s4  }
0xb8: {  	[dreg:$0x5] =	wrdreg s16  }
0xb9: {  	[dreg:$0x6] =	wrdreg s17  }
0xba: {  	[dreg:$0x7] =	wrdreg $0x9  }
0xbb: {  	_ =	task.clear_ibuf [dreg:s10], $0x8FFFF;
	_ =	strace $0x90000046  }
0xbc: {  	s29 =	simm.s32 $0x9;
	_ =	strace $0x80000048  }
0xbd: {  	_ =	swait.ge [sflag:s29], $0x1  }
0xbe: {  	[sflag:s29] =	ssyncadd.s32 $0xFFFFFFFF  }
0xbf: {  	_ =	strace $0x90000048  }
0xc0: {  	_ =	sfence  }
0xc1: {  	s30 =	sld [smem:$0x0];
	_ =	sdelay $0x2  }
0xc2: {  	s31 =	sshll.u32 s1, $0xD;
	s1 =	sshrl.u32 s1, $0x2  }
0xc3: {  	s3 =	sand.u32 $0x4000, s31;
	s1 =	sadd.s32 s1, s30  }
0xc4: {  	s0 =	sor.u32 s3, s0;
	s1 =	sshll.u32 s1, $0x11  }
0xc5: {  	s0 =	sor.u32 s1, s0  }
0xc6: {  	s0 =	sadd.s32 $0x8F2B, s0  }
0xc7: {  	[sflag:s0] =	ssyncadd.remote.s32 $0x1  }
0xc8: {  	_ =	sfence.sel $0xFFFF  }
0xc9: {  	[dreg:$0x0] =	wrdreg $0xFFFFFFFF;
	(pc) =	sbr.abs _section_cstart, $3  }
0xca: {  	[dreg:$0x1] =	wrdreg $0xFFFFFFFF  }
0xcb: {  	_ =	task.clear_ibuf [dreg:s10], $0x2FFFF;
	_ =	strace $0x9FFFFFFF  }
0xcc: {  	(tm) =	ssettm $0x7FFFFFFF  }
0xcd: {  	_ =	shalt  }
tec
execute0_lowered:
.L_overlay_start_1:
0x0: {  	(tag) =	ssettag $0x1  }
0x1: {  	s4 =	rddreg [dreg:$0x0]  }
0x2: {  	s5 =	rddreg [dreg:$0x1];
	s2 =	srdreg.scid  }
0x3: {  	s1 =	rddreg [dreg:$0x2];
	s0 =	stileid.u32;
	s12 =	sand.u32 $0x1, s2  }
0x4: {  	s11 =	rddreg [dreg:$0x3];
	s6 =	sshll.u32 s0, $0x2;
	s7 =	sshll.u32 s12, $0x1  }
0x5: {  	s13 =	rddreg [dreg:$0x4];
	s3 =	simm.s32 $0x0;
	s14 =	sor.u32 s7, s6  }
0x6: {  	[smem:$0x7FF] =	sst s3;
	s4 =	sadd.s32 s14, s4  }
0x7: {  	s2 =	rddreg [dreg:$0x5];
	_ =	strace $0x80000047;
	s4 =	sadd.s32 $0xE00, s4  }
0x8: {  	[tilespmem:s3], [sflag:$0x1] =	stream.linear.gather [hbm4b:s4+s3], $0x10, $0x38;
	[tilespmem:$0x200] =	vst v63  }
0x9: {  	s6 =	simm.s32 $0x80;
	s7 =	simm.s32 $0x1;
	s5 =	sadd.s32 s5, s14  }
0xa: {  	[tilespmem:s6], [sflag:$0x2] =	stream.linear.gather [hbm4b:s5+s3], $0x10, $0x38;
	[tilespmem:$0x200] =	vst v63  }
0xb: {  	_ =	swait.ge [sflag:s7], $0x10  }
0xc: {  	[sflag:s7] =	ssyncset.done $0x0  }
0xd: {  	s8 =	simm.s32 $0x10;
	s9 =	simm.s32 $0x100;
	[sflag:s7] =	ssyncadd.s32 $0xFFFFFFF0  }
0xe: {  	[tilespmem:s9], [sflag:$0x1] =	stream.indirect.gather [hbm4b:s1+s8], $0x1, s3, s8, $0xb8;
	[tilespmem:$0x200] =	vst v63  }
0xf: {  	_ =	swait.ge [sflag:s7], $0x10  }
0x10: {  	[sflag:s7] =	ssyncset.done $0x0  }
0x11: {  	s10 =	simm.s32 $0x2;
	[sflag:s7] =	ssyncadd.s32 $0xFFFFFFF0  }
0x12: {  	v1 =	vld [tilespmem:$0x100];
	_ =	swait.ge [sflag:s10], $0x10  }
0x13: {  	[sflag:s10] =	ssyncset.done $0x0  }
0x14: {  	[sflag:s10] =	ssyncadd.s32 $0xFFFFFFF0  }
0x15: {  	v2 =	vld [tilespmem:$0x80];
	_ =	sdelay $0x3  }
0x16: {  	s15 =	ssub.s32 $0x2, s12  }
0x17: {  	v0 =	vimm.f32 $0.0e+00;
	s31 =	sshrl.u32 s15, $0x1;
	vm0 =	veq.s32 v1, v2  }
0x18: {  	s11 =	sadd.s32 s11, s14;
	s12 =	sadd.s32 s13, s14;
	s14 =	ssub.s32 s15, s31;
	v1 =	vsel vm0, $0x3F800000, v0  }
0x19: {  	s14 =	smax.u32 s14, $0x1;
	[tilespmem:$0x180] =	vst v1  }
0x1a: {  	[hbm4b:s11+s3] =	stream.linear.scatter [tilespmem:s9], [sflag:$0x1], $0x10, $0x38;
	[tilespmem:$0x200] =	vst v63  }
0x1b: {  	s13 =	simm.s32 $0x180;
	p0 =	sne.s32 s14, $0x1  }
0x1c: {  	[hbm4b:s12+s3] =	stream.linear.scatter [tilespmem:s13], [sflag:$0x2], $0x10, $0x38;
	[tilespmem:$0x200] =	vst v63  }
.Ltmp0:
0x1d: {  	_ =	swait.ge [sflag:s7], $0x10;
	(pc) =	sbr.rel @!p0 .LBB2_2-.Ltmp0, $4  }
0x1e: {  	[sflag:s7] =	ssyncset.done $0x0  }
0x1f: {  	[sflag:s7] =	ssyncadd.s32 $0xFFFFFFF0  }
0x20: {  	_ =	swait.ge [sflag:s10], $0x10  }
0x21: {  	s14 =	sadd.s32 $0xFFFFFFFF, s14;
	[sflag:s10] =	ssyncset.done $0x0  }
.LBB2_1:
0x22: {  	p0 =	sne.s32 s14, $0x1;
	s14 =	sadd.s32 $0xFFFFFFFF, s14;
	[sflag:s10] =	ssyncadd.s32 $0xFFFFFFF0  }
0x23: {  	[tilespmem:s3], [sflag:$0x1] =	stream.linear.gather [hbm4b:s4+s3], $0x10, $0x38;
	[tilespmem:$0x200] =	vst v63  }
0x24: {  	_ = 	snop  }
0x25: {  	[tilespmem:s6], [sflag:$0x2] =	stream.linear.gather [hbm4b:s5+s3], $0x10, $0x38;
	[tilespmem:$0x200] =	vst v63  }
0x26: {  	_ =	swait.ge [sflag:s7], $0x10  }
0x27: {  	[sflag:s7] =	ssyncset.done $0x0  }
0x28: {  	[sflag:s7] =	ssyncadd.s32 $0xFFFFFFF0  }
0x29: {  	[tilespmem:s9], [sflag:$0x1] =	stream.indirect.gather [hbm4b:s1+s8], $0x1, s3, s8, $0xb8;
	[tilespmem:$0x200] =	vst v63  }
0x2a: {  	_ =	swait.ge [sflag:s7], $0x10  }
0x2b: {  	[sflag:s7] =	ssyncset.done $0x0  }
0x2c: {  	[sflag:s7] =	ssyncadd.s32 $0xFFFFFFF0  }
0x2d: {  	v1 =	vld [tilespmem:$0x100]  }
0x2e: {  	_ =	swait.ge [sflag:s10], $0x10  }
0x2f: {  	[sflag:s10] =	ssyncset.done $0x0  }
0x30: {  	[sflag:s10] =	ssyncadd.s32 $0xFFFFFFF0  }
0x31: {  	v2 =	vld [tilespmem:$0x80];
	_ =	sdelay $0x4  }
0x32: {  	vm0 =	veq.s32 v1, v2  }
0x33: {  	v1 =	vsel vm0, $0x3F800000, v0  }
0x34: {  	[tilespmem:$0x180] =	vst v1  }
0x35: {  	[hbm4b:s11+s3] =	stream.linear.scatter [tilespmem:s9], [sflag:$0x1], $0x10, $0x38;
	[tilespmem:$0x200] =	vst v63  }
0x36: {  	_ = 	snop  }
0x37: {  	[hbm4b:s12+s3] =	stream.linear.scatter [tilespmem:s13], [sflag:$0x2], $0x10, $0x38;
	[tilespmem:$0x200] =	vst v63  }
.Ltmp1:
0x38: {  	_ =	swait.ge [sflag:s7], $0x10;
	(pc) =	sbr.rel @p0 .LBB2_1-.Ltmp1, $4  }
0x39: {  	[sflag:s7] =	ssyncset.done $0x0  }
0x3a: {  	[sflag:s7] =	ssyncadd.s32 $0xFFFFFFF0  }
0x3b: {  	_ =	swait.ge [sflag:s10], $0x10  }
0x3c: {  	[sflag:s10] =	ssyncset.done $0x0  }
.LBB2_2:
0x3d: {  	[sflag:s10] =	ssyncadd.s32 $0xFFFFFFF0  }
0x3e: {  	_ =	sfence.sel $0x180000  }
0x3f: {  	[bflag:$0x0] =	sbarrier.arrive $0xFFFF  }
0x40: {  	p0 =	sne.s32 s0, $0x0;
	_ =	strace $0x90000047  }
0x41: {  	s0 =	sadd.s32 @!p0 $0x100000, s2;
	[bflag:$0x2] =	sbarrier.arrive $0xFFFF  }
0x42: {  	[sflag:s0] =	ssyncadd.tile.s32 @!p0 $0x1;
	_ =	shalt  }
.Lfunc_end2:
_tile_overlayer_lowered:
.L_overlay_start_2:
0x43: {  	(tag) =	ssettag $0x2  }
0x44: {  	s0 =	rddreg [dreg:$0x0];
	s2 =	stileid.u32  }
0x45: {  	s1 =	rddreg [dreg:$0x1];
	p0 =	sne.s32 s2, $0x0  }
0x46: {  	s3 =	rddreg [dreg:$0x2];
	[bflag:$0x3] =	sbarrier.arrive $0xFFFF;
	s2 =	simm.s32 @!p0 $0x1C03  }
0x47: {  	[timem:s3], [sflag:s2] =	dma.local @!p0 [hbm:s0], s1  }
0x48: {  	s0 =	simm.s32 @!p0 $0x3  }
0x49: {  	_ =	swait.ge @!p0 [sflag:s0], s1  }
0x4a: {  	s1 =	ssub.s32 @!p0 $0x0, s1;
	[sflag:s0] =	ssyncset.done @!p0 $0x0  }
0x4b: {  	[sflag:s0] =	ssyncadd.s32 @!p0 s1  }
0x4c: {  	[bflag:$0x3] =	sbarrier.arrive $0xFFFF  }
0x4d: {  	_ =	shalt  }

</sc_bundles>
